<compile_context>
chip_gen: v7x
topology: tpu7x:2x2x1
jax: 0.10.2.dev20260603
libtpu: 0.0.44.dev20260713+nightly
codegen_flags: <defaults>
</compile_context>

<pallas_src>
import functools

import jax
import jax.numpy as jnp
import numpy as np
from jax import lax
from jax.experimental import pallas as pl
from jax.experimental.pallas import tpu as pltpu
from jax.experimental.pallas import tpu_sc as plsc

_D = 20
_H = 16
_BT = 2048
_CW = 256
_NB = 64

_EYE = np.eye(_D, dtype=np.float32)
_N3 = np.stack([np.roll(_EYE, r - 1, axis=0) for r in range(3)])
_N2 = np.stack([np.roll(_EYE, r, axis=0) for r in range(2)])

_COL_F1 = 0
_COL_GA = 20
_COL_GB = 40
_COL_F2 = 128
_COL_G2A = 148
_COL_G2B = 168
_COL_G2C = 188


def _chan_proj(W3, b3, cols, width):
    sel = np.zeros((len(cols), _D, width), np.float32)
    for k, c0 in enumerate(cols):
        for i in range(_D):
            sel[k, i, c0 + i] = 1.0
    selj = jnp.asarray(sel)
    P = jnp.einsum("kic,uk->iuc", selj, W3).reshape(_D * _H, width)
    bias = jnp.einsum("kic,k->c", selj, b3)[None]
    return P, bias


def _tc_body(x_ref, a1a_ref, a1b_ref, k1a_ref, k1b_ref, k2a_ref, k2b_ref,
             pa_ref, pb_ref, b1a_ref, b1b_ref, b2a_ref, b2b_ref, b3a_ref,
             b3b_ref, bpa_ref, bpb_ref, ch_ref, f1_ref, f2_ref):
    f32 = jnp.float32
    xb = x_ref[...]

    h = jnp.maximum(jnp.dot(xb, a1a_ref[...], preferred_element_type=f32) + b1a_ref[...], 0.0)
    h = jnp.maximum(jnp.dot(h, k1a_ref[...], preferred_element_type=f32) + b2a_ref[...], 0.0)
    h = jnp.maximum(jnp.dot(h, k2a_ref[...], preferred_element_type=f32) + b3a_ref[...], 0.0)
    cha = jnp.dot(h, pa_ref[...], preferred_element_type=f32) + bpa_ref[...]
    ch_ref[:, 0:128] = cha
    f1_ref[...] = cha[:, 0:_D]

    h = jnp.maximum(jnp.dot(xb, a1b_ref[...], preferred_element_type=f32) + b1b_ref[...], 0.0)
    h = jnp.maximum(jnp.dot(h, k1b_ref[...], preferred_element_type=f32) + b2b_ref[...], 0.0)
    h = jnp.maximum(jnp.dot(h, k2b_ref[...], preferred_element_type=f32) + b3b_ref[...], 0.0)
    chb = jnp.dot(h, pb_ref[...], preferred_element_type=f32) + bpb_ref[...]
    ch_ref[:, 128:256] = chb
    f2_ref[...] = chb[:, 0:_D]


def _tc_stage(x, consts):
    B = x.shape[0]
    grid = (B // _BT,)
    in_specs = [pl.BlockSpec((_BT, _D), lambda b: (b, 0))]
    in_specs += [pl.BlockSpec(c.shape, lambda b: (0, 0)) for c in consts]
    return pl.pallas_call(
        _tc_body, grid=grid, in_specs=in_specs,
        out_specs=[pl.BlockSpec((_BT, _CW), lambda b: (b, 0)),
                   pl.BlockSpec((_BT, _D), lambda b: (b, 0)),
                   pl.BlockSpec((_BT, _D), lambda b: (b, 0))],
        out_shape=[jax.ShapeDtypeStruct((B, _CW), jnp.float32),
                   jax.ShapeDtypeStruct((B, _D), jnp.float32),
                   jax.ShapeDtypeStruct((B, _D), jnp.float32)],
    )(x, *consts)


def _sc_body(ch_hbm, zimg_hbm, g1_hbm, g2_hbm, chv, img1, img2):
    B = ch_hbm.shape[0]
    nw = 32
    per_w = B // nw
    steps = per_w // _NB
    wid = lax.axis_index("s") * 2 + lax.axis_index("c")
    base = wid * per_w

    pass


def _sc_stage(ch):
    B = ch.shape[0]
    f32 = jnp.float32
    zimg = jnp.zeros((_NB, _D * _D), f32)
    mesh = plsc.VectorSubcoreMesh(core_axis_name="c", subcore_axis_name="s")
    kern = pl.kernel(
        _sc_body,
        out_type=[
            jax.ShapeDtypeStruct((B, _D * _D), f32),
            jax.ShapeDtypeStruct((B, _D * _D), f32),
        ],
        mesh=mesh,
        compiler_params=pltpu.CompilerParams(needs_layout_passes=False),
        scratch_types=[
            pltpu.VMEM((_NB, _CW), f32),
            pltpu.VMEM((_NB, _D * _D), f32),
            pltpu.VMEM((_NB, _D * _D), f32),
        ],
    )
    return kern(ch, zimg)


def kernel(x, Wa0, ba0, Wa1, ba1, Wa2, ba2, Wa3, ba3,
           Wb0, bb0, Wb1, bb1, Wb2, bb2, Wb3, bb3):
    eye = jnp.asarray(_EYE)

    a1a = jnp.einsum("rki,rc->kic", jnp.asarray(_N3), Wa0).reshape(_D, _D * _H)
    a1b = jnp.einsum("rki,rc->kic", jnp.asarray(_N2), Wb0).reshape(_D, _D * _H)
    k1a = jnp.kron(eye, Wa1)
    k1b = jnp.kron(eye, Wb1)
    k2a = jnp.kron(eye, Wa2)
    k2b = jnp.kron(eye, Wb2)
    pa, bpa = _chan_proj(Wa3, ba3, (_COL_F1, _COL_GA, _COL_GB), 128)
    pb, bpb = _chan_proj(Wb3, bb3, (_COL_F2 - 128, _COL_G2A - 128,
                                    _COL_G2B - 128, _COL_G2C - 128), 128)
    b1a = jnp.tile(ba0, _D)[None]
    b1b = jnp.tile(bb0, _D)[None]
    b2a = jnp.tile(ba1, _D)[None]
    b2b = jnp.tile(bb1, _D)[None]
    b3a = jnp.tile(ba2, _D)[None]
    b3b = jnp.tile(bb2, _D)[None]

    consts = (a1a, a1b, k1a, k1b, k2a, k2b, pa, pb,
              b1a, b1b, b2a, b2b, b3a, b3b, bpa, bpb)

    B = x.shape[0]
    ch, f1, f2 = _tc_stage(x, consts)
    g1, g2 = _sc_stage(ch)
    return (f1[:, :, None], g1.reshape(B, _D, _D),
            f2[:, :, None], g2.reshape(B, _D, _D))

# --- scband reference (transcript-rebuilt; emitter-appended) ---
"""Pipeline reference for scband-cgnn-16827681865786 (READ-ONLY COPY).

The authoritative reference and input builder live on the scoring server;
editing this copy changes nothing except your own understanding.
"""

import jax, jax.numpy as jnp
import numpy as np

DIM = 20
BATCH = 16384


def _mlp(x, params):
    n = len(params)
    h = x
    for i, (W, b) in enumerate(params):
        h = h @ W + b
        if i < n - 1:
            h = jax.nn.relu(h)
    return h


def setup_inputs(seed: int = 0):
    key = jax.random.key(seed)
    inp = {"x": jax.random.normal(jax.random.fold_in(key, 0), (BATCH, DIM), dtype=jnp.float32)}
    dims1 = [(3, 16), (16, 32), (32, 16), (16, 3)]
    dims2 = [(2, 16), (16, 32), (32, 16), (16, 4)]
    k = 1
    for tag, dims in (("a", dims1), ("b", dims2)):
        for j, (din, dout) in enumerate(dims):
            inp[f"W{tag}{j}"] = jax.random.normal(jax.random.fold_in(key, k), (din, dout), dtype=jnp.float32) * (1.0 / np.sqrt(din)); k += 1
            inp[f"b{tag}{j}"] = jax.random.normal(jax.random.fold_in(key, k), (dout,), dtype=jnp.float32) * 0.01; k += 1
    return inp


def reference(x, Wa0, ba0, Wa1, ba1, Wa2, ba2, Wa3, ba3,
              Wb0, bb0, Wb1, bb1, Wb2, bb2, Wb3, bb3):
    batch = x.shape[0]
    idx1 = jnp.asarray(np.array([[(i - 1) % DIM, i, (i + 1) % DIM] for i in range(DIM)], dtype=np.int32))
    idx2 = jnp.asarray(np.array([[i, (i + 1) % DIM] for i in range(DIM)], dtype=np.int32))
    xl1 = jnp.take(x, idx1, axis=1)  # [B, 20, 3]
    xl2 = jnp.take(x, idx2, axis=1)  # [B, 20, 2]
    p1 = [(Wa0, ba0), (Wa1, ba1), (Wa2, ba2), (Wa3, ba3)]
    p2 = [(Wb0, bb0), (Wb1, bb1), (Wb2, bb2), (Wb3, bb3)]
    out1 = _mlp(xl1, p1)  # [B, 20, 3]
    out2 = _mlp(xl2, p2)  # [B, 20, 4]
    f1 = out1[:, :, :1]
    m1 = np.arange(DIM)[:, None]
    m2a = np.array([[(j - 1) % DIM, j] for j in range(DIM)])
    g1 = jnp.zeros((batch, DIM, DIM), x.dtype).at[:, m1, m2a].set(out1[:, :, 1:])
    f2 = out2[:, :, :1]
    m2b = np.array([[(j - 1) % DIM, j % DIM, (j + 1) % DIM] for j in range(DIM)])
    g2 = jnp.zeros((batch, DIM, DIM), x.dtype).at[:, m1, m2b].set(out2[:, :, 1:])
    return (f1, g1, f2, g2)

if __name__ == "__main__":
    import jax
    _d = setup_inputs()
    print(jax.jit(kernel)(*tuple(_d.values())))

</pallas_src>

<mosaic_0001>
#map = affine_map<(d0, d1) -> (0, 0)>
module attributes {stable_mosaic.version = 14 : i64} {
  func.func @_sc_body(%arg0: i32, %arg1: i32, %arg2: memref<16384x256xf32, #tpu.memory_space<hbm>>, %arg3: memref<64x400xf32, #tpu.memory_space<hbm>>, %arg4: memref<16384x400xf32, #tpu.memory_space<hbm>>, %arg5: memref<16384x400xf32, #tpu.memory_space<hbm>>, %arg6: memref<64x256xf32, #tpu.memory_space<vmem>>, %arg7: memref<64x400xf32, #tpu.memory_space<vmem>>, %arg8: memref<64x400xf32, #tpu.memory_space<vmem>>) attributes {dimension_semantics = [#tpu.dimension_semantics<core_parallel>, #tpu.dimension_semantics<subcore_parallel>], iteration_bounds = array<i64: 2, 16>, scalar_prefetch = 0 : i64, scratch_operands = 3 : i64, tpu.core_type = #tpu.core_type<sc_vector_subcore>, window_params = [{transform_indices = #map}, {transform_indices = #map}, {transform_indices = #map}, {transform_indices = #map}]} {
    %mul3A = arith.constant 2 : i32
    %mul3A_0 = arith.muli %arg1, %mul3A : i32
    %add3A = arith.addi %mul3A_0, %arg0 : i32
    %mul3A_1 = arith.constant 512 : i32
    %mul3A_2 = arith.muli %add3A, %mul3A_1 : i32
    return
  }
}

module attributes {stable_mosaic.version = 14 : i64} {
  func.func @_tc_body(%arg0: i32, %arg1: memref<2048x20xf32, #tpu.memory_space<vmem>>, %arg2: memref<20x320xf32, #tpu.memory_space<vmem>>, %arg3: memref<20x320xf32, #tpu.memory_space<vmem>>, %arg4: memref<320x640xf32, #tpu.memory_space<vmem>>, %arg5: memref<320x640xf32, #tpu.memory_space<vmem>>, %arg6: memref<640x320xf32, #tpu.memory_space<vmem>>, %arg7: memref<640x320xf32, #tpu.memory_space<vmem>>, %arg8: memref<320x128xf32, #tpu.memory_space<vmem>>, %arg9: memref<320x128xf32, #tpu.memory_space<vmem>>, %arg10: memref<1x320xf32, #tpu.memory_space<vmem>>, %arg11: memref<1x320xf32, #tpu.memory_space<vmem>>, %arg12: memref<1x640xf32, #tpu.memory_space<vmem>>, %arg13: memref<1x640xf32, #tpu.memory_space<vmem>>, %arg14: memref<1x320xf32, #tpu.memory_space<vmem>>, %arg15: memref<1x320xf32, #tpu.memory_space<vmem>>, %arg16: memref<1x128xf32, #tpu.memory_space<vmem>>, %arg17: memref<1x128xf32, #tpu.memory_space<vmem>>, %arg18: memref<2048x256xf32, #tpu.memory_space<vmem>>, %arg19: memref<2048x20xf32, #tpu.memory_space<vmem>>, %arg20: memref<2048x20xf32, #tpu.memory_space<vmem>>) attributes {dimension_semantics = [#tpu.dimension_semantics<arbitrary>], iteration_bounds = array<i64: 8>, scalar_prefetch = 0 : i64, scratch_operands = 0 : i64, tpu.core_type = #tpu.core_type<tc>, window_params = [{transform_indices = @transform_0, window_bounds = array<i64: 2048, 20>}, {pipeline_mode = #tpu.pipeline_mode<synchronous>, transform_indices = @transform_1, window_bounds = array<i64: 20, 320>}, {pipeline_mode = #tpu.pipeline_mode<synchronous>, transform_indices = @transform_2, window_bounds = array<i64: 20, 320>}, {pipeline_mode = #tpu.pipeline_mode<synchronous>, transform_indices = @transform_3, window_bounds = array<i64: 320, 640>}, {pipeline_mode = #tpu.pipeline_mode<synchronous>, transform_indices = @transform_4, window_bounds = array<i64: 320, 640>}, {pipeline_mode = #tpu.pipeline_mode<synchronous>, transform_indices = @transform_5, window_bounds = array<i64: 640, 320>}, {pipeline_mode = #tpu.pipeline_mode<synchronous>, transform_indices = @transform_6, window_bounds = array<i64: 640, 320>}, {pipeline_mode = #tpu.pipeline_mode<synchronous>, transform_indices = @transform_7, window_bounds = array<i64: 320, 128>}, {pipeline_mode = #tpu.pipeline_mode<synchronous>, transform_indices = @transform_8, window_bounds = array<i64: 320, 128>}, {pipeline_mode = #tpu.pipeline_mode<synchronous>, transform_indices = @transform_9, window_bounds = array<i64: 1, 320>}, {pipeline_mode = #tpu.pipeline_mode<synchronous>, transform_indices = @transform_10, window_bounds = array<i64: 1, 320>}, {pipeline_mode = #tpu.pipeline_mode<synchronous>, transform_indices = @transform_11, window_bounds = array<i64: 1, 640>}, {pipeline_mode = #tpu.pipeline_mode<synchronous>, transform_indices = @transform_12, window_bounds = array<i64: 1, 640>}, {pipeline_mode = #tpu.pipeline_mode<synchronous>, transform_indices = @transform_13, window_bounds = array<i64: 1, 320>}, {pipeline_mode = #tpu.pipeline_mode<synchronous>, transform_indices = @transform_14, window_bounds = array<i64: 1, 320>}, {pipeline_mode = #tpu.pipeline_mode<synchronous>, transform_indices = @transform_15, window_bounds = array<i64: 1, 128>}, {pipeline_mode = #tpu.pipeline_mode<synchronous>, transform_indices = @transform_16, window_bounds = array<i64: 1, 128>}, {transform_indices = @transform_17, window_bounds = array<i64: 2048, 256>}, {transform_indices = @transform_18, window_bounds = array<i64: 2048, 20>}, {transform_indices = @transform_19, window_bounds = array<i64: 2048, 20>}]} {
    %get3A = arith.constant 0 : index
    %get3A_0 = arith.constant 0 : index
    %get3A_1 = vector.load %arg1[%get3A, %get3A_0] : memref<2048x20xf32, #tpu.memory_space<vmem>>, vector<2048x20xf32>
    %get3A_2 = arith.constant 0 : index
    %get3A_3 = arith.constant 0 : index
    %get3A_4 = vector.load %arg2[%get3A_2, %get3A_3] : memref<20x320xf32, #tpu.memory_space<vmem>>, vector<20x320xf32>
    %dot_general3A = arith.constant dense<0.000000e+00> : vector<2048x320xf32>
    %dot_general3A_5 = tpu.matmul %get3A_1, %get3A_4, %dot_general3A {dimension_numbers = #tpu.dot_dimension_numbers<[1], [0], [0], [1], [0, 0, 1, 1], [], []>, transpose_lhs_hint = false} : vector<2048x20xf32>, vector<20x320xf32>, vector<2048x320xf32> -> vector<2048x320xf32>
    %get3A_6 = arith.constant 0 : index
    %get3A_7 = arith.constant 0 : index
    %get3A_8 = vector.load %arg10[%get3A_6, %get3A_7] : memref<1x320xf32, #tpu.memory_space<vmem>>, vector<1x320xf32>
    %add3A = vector.broadcast %get3A_8 : vector<1x320xf32> to vector<2048x320xf32>
    %add3A_9 = arith.addf %dot_general3A_5, %add3A : vector<2048x320xf32>
    %max3A = arith.constant 0.000000e+00 : f32
    %max3A_10 = vector.broadcast %max3A : f32 to vector<2048x320xf32>
    %max3A_11 = arith.maximumf %add3A_9, %max3A_10 : vector<2048x320xf32>
    %get3A_12 = arith.constant 0 : index
    %get3A_13 = arith.constant 0 : index
    %get3A_14 = vector.load %arg4[%get3A_12, %get3A_13] : memref<320x640xf32, #tpu.memory_space<vmem>>, vector<320x640xf32>
    %dot_general3A_15 = arith.constant dense<0.000000e+00> : vector<2048x640xf32>
    %dot_general3A_16 = tpu.matmul %max3A_11, %get3A_14, %dot_general3A_15 {dimension_numbers = #tpu.dot_dimension_numbers<[1], [0], [0], [1], [0, 0, 1, 1], [], []>, transpose_lhs_hint = false} : vector<2048x320xf32>, vector<320x640xf32>, vector<2048x640xf32> -> vector<2048x640xf32>
    %get3A_17 = arith.constant 0 : index
    %get3A_18 = arith.constant 0 : index
    %get3A_19 = vector.load %arg12[%get3A_17, %get3A_18] : memref<1x640xf32, #tpu.memory_space<vmem>>, vector<1x640xf32>
    %add3A_20 = vector.broadcast %get3A_19 : vector<1x640xf32> to vector<2048x640xf32>
    %add3A_21 = arith.addf %dot_general3A_16, %add3A_20 : vector<2048x640xf32>
    %max3A_22 = arith.constant 0.000000e+00 : f32
    %max3A_23 = vector.broadcast %max3A_22 : f32 to vector<2048x640xf32>
    %max3A_24 = arith.maximumf %add3A_21, %max3A_23 : vector<2048x640xf32>
    %get3A_25 = arith.constant 0 : index
    %get3A_26 = arith.constant 0 : index
    %get3A_27 = vector.load %arg6[%get3A_25, %get3A_26] : memref<640x320xf32, #tpu.memory_space<vmem>>, vector<640x320xf32>
    %dot_general3A_28 = arith.constant dense<0.000000e+00> : vector<2048x320xf32>
    %dot_general3A_29 = tpu.matmul %max3A_24, %get3A_27, %dot_general3A_28 {dimension_numbers = #tpu.dot_dimension_numbers<[1], [0], [0], [1], [0, 0, 1, 1], [], []>, transpose_lhs_hint = false} : vector<2048x640xf32>, vector<640x320xf32>, vector<2048x320xf32> -> vector<2048x320xf32>
    %get3A_30 = arith.constant 0 : index
    %get3A_31 = arith.constant 0 : index
    %get3A_32 = vector.load %arg14[%get3A_30, %get3A_31] : memref<1x320xf32, #tpu.memory_space<vmem>>, vector<1x320xf32>
    %add3A_33 = vector.broadcast %get3A_32 : vector<1x320xf32> to vector<2048x320xf32>
    %add3A_34 = arith.addf %dot_general3A_29, %add3A_33 : vector<2048x320xf32>
    %max3A_35 = arith.constant 0.000000e+00 : f32
    %max3A_36 = vector.broadcast %max3A_35 : f32 to vector<2048x320xf32>
    %max3A_37 = arith.maximumf %add3A_34, %max3A_36 : vector<2048x320xf32>
    %get3A_38 = arith.constant 0 : index
    %get3A_39 = arith.constant 0 : index
    %get3A_40 = vector.load %arg8[%get3A_38, %get3A_39] : memref<320x128xf32, #tpu.memory_space<vmem>>, vector<320x128xf32>
    %dot_general3A_41 = arith.constant dense<0.000000e+00> : vector<2048x128xf32>
    %dot_general3A_42 = tpu.matmul %max3A_37, %get3A_40, %dot_general3A_41 {dimension_numbers = #tpu.dot_dimension_numbers<[1], [0], [0], [1], [0, 0, 1, 1], [], []>, transpose_lhs_hint = false} : vector<2048x320xf32>, vector<320x128xf32>, vector<2048x128xf32> -> vector<2048x128xf32>
    %get3A_43 = arith.constant 0 : index
    %get3A_44 = arith.constant 0 : index
    %get3A_45 = vector.load %arg16[%get3A_43, %get3A_44] : memref<1x128xf32, #tpu.memory_space<vmem>>, vector<1x128xf32>
    %add3A_46 = vector.broadcast %get3A_45 : vector<1x128xf32> to vector<2048x128xf32>
    %add3A_47 = arith.addf %dot_general3A_42, %add3A_46 : vector<2048x128xf32>
    %swap3A = arith.constant 0 : index
    %swap3A_48 = arith.constant 0 : index
    %swap3A_49 = vector.load %arg18[%swap3A, %swap3A_48] : memref<2048x256xf32, #tpu.memory_space<vmem>>, vector<2048x128xf32>
    tpu.vector_store %arg18[%swap3A, %swap3A_48], %add3A_47 {strides = array<i32>} : memref<2048x256xf32, #tpu.memory_space<vmem>>, vector<2048x128xf32>,
    %slice3A = vector.extract_strided_slice %add3A_47 {offsets = [0, 0], sizes = [2048, 20], strides = [1, 1]} : vector<2048x128xf32> to vector<2048x20xf32>
    %swap3A_50 = arith.constant 0 : index
    %swap3A_51 = arith.constant 0 : index
    %swap3A_52 = vector.load %arg19[%swap3A_50, %swap3A_51] : memref<2048x20xf32, #tpu.memory_space<vmem>>, vector<2048x20xf32>
    tpu.vector_store %arg19[%swap3A_50, %swap3A_51], %slice3A {strides = array<i32>} : memref<2048x20xf32, #tpu.memory_space<vmem>>, vector<2048x20xf32>,
    %get3A_53 = arith.constant 0 : index
    %get3A_54 = arith.constant 0 : index
    %get3A_55 = vector.load %arg3[%get3A_53, %get3A_54] : memref<20x320xf32, #tpu.memory_space<vmem>>, vector<20x320xf32>
    %dot_general3A_56 = arith.constant dense<0.000000e+00> : vector<2048x320xf32>
    %dot_general3A_57 = tpu.matmul %get3A_1, %get3A_55, %dot_general3A_56 {dimension_numbers = #tpu.dot_dimension_numbers<[1], [0], [0], [1], [0, 0, 1, 1], [], []>, transpose_lhs_hint = false} : vector<2048x20xf32>, vector<20x320xf32>, vector<2048x320xf32> -> vector<2048x320xf32>
    %get3A_58 = arith.constant 0 : index
    %get3A_59 = arith.constant 0 : index
    %get3A_60 = vector.load %arg11[%get3A_58, %get3A_59] : memref<1x320xf32, #tpu.memory_space<vmem>>, vector<1x320xf32>
    %add3A_61 = vector.broadcast %get3A_60 : vector<1x320xf32> to vector<2048x320xf32>
    %add3A_62 = arith.addf %dot_general3A_57, %add3A_61 : vector<2048x320xf32>
    %max3A_63 = arith.constant 0.000000e+00 : f32
    %max3A_64 = vector.broadcast %max3A_63 : f32 to vector<2048x320xf32>
    %max3A_65 = arith.maximumf %add3A_62, %max3A_64 : vector<2048x320xf32>
    %get3A_66 = arith.constant 0 : index
    %get3A_67 = arith.constant 0 : index
    %get3A_68 = vector.load %arg5[%get3A_66, %get3A_67] : memref<320x640xf32, #tpu.memory_space<vmem>>, vector<320x640xf32>
    %dot_general3A_69 = arith.constant dense<0.000000e+00> : vector<2048x640xf32>
    %dot_general3A_70 = tpu.matmul %max3A_65, %get3A_68, %dot_general3A_69 {dimension_numbers = #tpu.dot_dimension_numbers<[1], [0], [0], [1], [0, 0, 1, 1], [], []>, transpose_lhs_hint = false} : vector<2048x320xf32>, vector<320x640xf32>, vector<2048x640xf32> -> vector<2048x640xf32>
    %get3A_71 = arith.constant 0 : index
    %get3A_72 = arith.constant 0 : index
    %get3A_73 = vector.load %arg13[%get3A_71, %get3A_72] : memref<1x640xf32, #tpu.memory_space<vmem>>, vector<1x640xf32>
    %add3A_74 = vector.broadcast %get3A_73 : vector<1x640xf32> to vector<2048x640xf32>
    %add3A_75 = arith.addf %dot_general3A_70, %add3A_74 : vector<2048x640xf32>
    %max3A_76 = arith.constant 0.000000e+00 : f32
    %max3A_77 = vector.broadcast %max3A_76 : f32 to vector<2048x640xf32>
    %max3A_78 = arith.maximumf %add3A_75, %max3A_77 : vector<2048x640xf32>
    %get3A_79 = arith.constant 0 : index
    %get3A_80 = arith.constant 0 : index
    %get3A_81 = vector.load %arg7[%get3A_79, %get3A_80] : memref<640x320xf32, #tpu.memory_space<vmem>>, vector<640x320xf32>
    %dot_general3A_82 = arith.constant dense<0.000000e+00> : vector<2048x320xf32>
    %dot_general3A_83 = tpu.matmul %max3A_78, %get3A_81, %dot_general3A_82 {dimension_numbers = #tpu.dot_dimension_numbers<[1], [0], [0], [1], [0, 0, 1, 1], [], []>, transpose_lhs_hint = false} : vector<2048x640xf32>, vector<640x320xf32>, vector<2048x320xf32> -> vector<2048x320xf32>
    %get3A_84 = arith.constant 0 : index
    %get3A_85 = arith.constant 0 : index
    %get3A_86 = vector.load %arg15[%get3A_84, %get3A_85] : memref<1x320xf32, #tpu.memory_space<vmem>>, vector<1x320xf32>
    %add3A_87 = vector.broadcast %get3A_86 : vector<1x320xf32> to vector<2048x320xf32>
    %add3A_88 = arith.addf %dot_general3A_83, %add3A_87 : vector<2048x320xf32>
    %max3A_89 = arith.constant 0.000000e+00 : f32
    %max3A_90 = vector.broadcast %max3A_89 : f32 to vector<2048x320xf32>
    %max3A_91 = arith.maximumf %add3A_88, %max3A_90 : vector<2048x320xf32>
    %get3A_92 = arith.constant 0 : index
    %get3A_93 = arith.constant 0 : index
    %get3A_94 = vector.load %arg9[%get3A_92, %get3A_93] : memref<320x128xf32, #tpu.memory_space<vmem>>, vector<320x128xf32>
    %dot_general3A_95 = arith.constant dense<0.000000e+00> : vector<2048x128xf32>
    %dot_general3A_96 = tpu.matmul %max3A_91, %get3A_94, %dot_general3A_95 {dimension_numbers = #tpu.dot_dimension_numbers<[1], [0], [0], [1], [0, 0, 1, 1], [], []>, transpose_lhs_hint = false} : vector<2048x320xf32>, vector<320x128xf32>, vector<2048x128xf32> -> vector<2048x128xf32>
    %get3A_97 = arith.constant 0 : index
    %get3A_98 = arith.constant 0 : index
    %get3A_99 = vector.load %arg17[%get3A_97, %get3A_98] : memref<1x128xf32, #tpu.memory_space<vmem>>, vector<1x128xf32>
    %add3A_100 = vector.broadcast %get3A_99 : vector<1x128xf32> to vector<2048x128xf32>
    %add3A_101 = arith.addf %dot_general3A_96, %add3A_100 : vector<2048x128xf32>
    %swap3A_102 = arith.constant 0 : index
    %swap3A_103 = arith.constant 128 : index
    %swap3A_104 = vector.load %arg18[%swap3A_102, %swap3A_103] : memref<2048x256xf32, #tpu.memory_space<vmem>>, vector<2048x128xf32>
    tpu.vector_store %arg18[%swap3A_102, %swap3A_103], %add3A_101 {strides = array<i32>} : memref<2048x256xf32, #tpu.memory_space<vmem>>, vector<2048x128xf32>,
    %slice3A_105 = vector.extract_strided_slice %add3A_101 {offsets = [0, 0], sizes = [2048, 20], strides = [1, 1]} : vector<2048x128xf32> to vector<2048x20xf32>
    %swap3A_106 = arith.constant 0 : index
    %swap3A_107 = arith.constant 0 : index
    %swap3A_108 = vector.load %arg20[%swap3A_106, %swap3A_107] : memref<2048x20xf32, #tpu.memory_space<vmem>>, vector<2048x20xf32>
    tpu.vector_store %arg20[%swap3A_106, %swap3A_107], %slice3A_105 {strides = array<i32>} : memref<2048x20xf32, #tpu.memory_space<vmem>>, vector<2048x20xf32>,
    return
  }
  func.func @transform_0(%arg0: i32) -> (i32, i32) {
    %c0_i32 = arith.constant 0 : i32
    %c0_i32_0 = arith.constant 0 : i32
    return %arg0, %c0_i32 : i32, i32
  }
  func.func @transform_1(%arg0: i32) -> (i32, i32) {
    %c0_i32 = arith.constant 0 : i32
    %c0_i32_0 = arith.constant 0 : i32
    %c0_i32_1 = arith.constant 0 : i32
    return %c0_i32, %c0_i32_0 : i32, i32
  }
  func.func @transform_2(%arg0: i32) -> (i32, i32) {
    %c0_i32 = arith.constant 0 : i32
    %c0_i32_0 = arith.constant 0 : i32
    %c0_i32_1 = arith.constant 0 : i32
    return %c0_i32, %c0_i32_0 : i32, i32
  }
  func.func @transform_3(%arg0: i32) -> (i32, i32) {
    %c0_i32 = arith.constant 0 : i32
    %c0_i32_0 = arith.constant 0 : i32
    %c0_i32_1 = arith.constant 0 : i32
    return %c0_i32, %c0_i32_0 : i32, i32
  }
  func.func @transform_4(%arg0: i32) -> (i32, i32) {
    %c0_i32 = arith.constant 0 : i32
    %c0_i32_0 = arith.constant 0 : i32
    %c0_i32_1 = arith.constant 0 : i32
    return %c0_i32, %c0_i32_0 : i32, i32
  }
  func.func @transform_5(%arg0: i32) -> (i32, i32) {
    %c0_i32 = arith.constant 0 : i32
    %c0_i32_0 = arith.constant 0 : i32
    %c0_i32_1 = arith.constant 0 : i32
    return %c0_i32, %c0_i32_0 : i32, i32
  }
  func.func @transform_6(%arg0: i32) -> (i32, i32) {
    %c0_i32 = arith.constant 0 : i32
    %c0_i32_0 = arith.constant 0 : i32
    %c0_i32_1 = arith.constant 0 : i32
    return %c0_i32, %c0_i32_0 : i32, i32
  }
  func.func @transform_7(%arg0: i32) -> (i32, i32) {
    %c0_i32 = arith.constant 0 : i32
    %c0_i32_0 = arith.constant 0 : i32
    %c0_i32_1 = arith.constant 0 : i32
    return %c0_i32, %c0_i32_0 : i32, i32
  }
  func.func @transform_8(%arg0: i32) -> (i32, i32) {
    %c0_i32 = arith.constant 0 : i32
    %c0_i32_0 = arith.constant 0 : i32
    %c0_i32_1 = arith.constant 0 : i32
    return %c0_i32, %c0_i32_0 : i32, i32
  }
  func.func @transform_9(%arg0: i32) -> (i32, i32) {
    %c0_i32 = arith.constant 0 : i32
    %c0_i32_0 = arith.constant 0 : i32
    %c0_i32_1 = arith.constant 0 : i32
    return %c0_i32, %c0_i32_0 : i32, i32
  }
  func.func @transform_10(%arg0: i32) -> (i32, i32) {
    %c0_i32 = arith.constant 0 : i32
    %c0_i32_0 = arith.constant 0 : i32
    %c0_i32_1 = arith.constant 0 : i32
    return %c0_i32, %c0_i32_0 : i32, i32
  }
  func.func @transform_11(%arg0: i32) -> (i32, i32) {
    %c0_i32 = arith.constant 0 : i32
    %c0_i32_0 = arith.constant 0 : i32
    %c0_i32_1 = arith.constant 0 : i32
    return %c0_i32, %c0_i32_0 : i32, i32
  }
  func.func @transform_12(%arg0: i32) -> (i32, i32) {
    %c0_i32 = arith.constant 0 : i32
    %c0_i32_0 = arith.constant 0 : i32
    %c0_i32_1 = arith.constant 0 : i32
    return %c0_i32, %c0_i32_0 : i32, i32
  }
  func.func @transform_13(%arg0: i32) -> (i32, i32) {
    %c0_i32 = arith.constant 0 : i32
    %c0_i32_0 = arith.constant 0 : i32
    %c0_i32_1 = arith.constant 0 : i32
    return %c0_i32, %c0_i32_0 : i32, i32
  }
  func.func @transform_14(%arg0: i32) -> (i32, i32) {
    %c0_i32 = arith.constant 0 : i32
    %c0_i32_0 = arith.constant 0 : i32
    %c0_i32_1 = arith.constant 0 : i32
    return %c0_i32, %c0_i32_0 : i32, i32
  }
  func.func @transform_15(%arg0: i32) -> (i32, i32) {
    %c0_i32 = arith.constant 0 : i32
    %c0_i32_0 = arith.constant 0 : i32
    %c0_i32_1 = arith.constant 0 : i32
    return %c0_i32, %c0_i32_0 : i32, i32
  }
  func.func @transform_16(%arg0: i32) -> (i32, i32) {
    %c0_i32 = arith.constant 0 : i32
    %c0_i32_0 = arith.constant 0 : i32
    %c0_i32_1 = arith.constant 0 : i32
    return %c0_i32, %c0_i32_0 : i32, i32
  }
  func.func @transform_17(%arg0: i32) -> (i32, i32) {
    %c0_i32 = arith.constant 0 : i32
    %c0_i32_0 = arith.constant 0 : i32
    return %arg0, %c0_i32 : i32, i32
  }
  func.func @transform_18(%arg0: i32) -> (i32, i32) {
    %c0_i32 = arith.constant 0 : i32
    %c0_i32_0 = arith.constant 0 : i32
    return %arg0, %c0_i32 : i32, i32
  }
  func.func @transform_19(%arg0: i32) -> (i32, i32) {
    %c0_i32 = arith.constant 0 : i32
    %c0_i32_0 = arith.constant 0 : i32
    return %arg0, %c0_i32 : i32, i32
  }
}

</mosaic_0001>

<sc_bundles>
// kernel: kernel.4.cloned.1.call-start
scs
__scs_entry_jumppad:
0x0: {  	(pc) =	sbr.rel $0x88, $3  }
0x1: {  	(tag) =	ssettag $0x0;
	lr =	simm.s32 $0x1  }
0x2: {  	[smem:$0x3F90] =	sst lr;
	_ =	strace $0xD0000000  }
0x3: {  	_ = 	snop  }
0x4: {  	_ = 	snop  }
0x5: {  	_ = 	snop  }
0x6: {  	_ = 	snop  }
0x7: {  	_ = 	snop  }
__scs_overlays_trampoline_lowered:
0x8: {  	[smem:$0x3F9F] =	sst s0  }
0x9: {  	[smem:$0x3FA0] =	sst s1  }
0xa: {  	[smem:$0x3FA1] =	sst s2  }
0xb: {  	[smem:$0x3FA2] =	sst s3  }
0xc: {  	[smem:$0x3FA3] =	sst s4  }
0xd: {  	[smem:$0x3FA4] =	sst s5  }
0xe: {  	[smem:$0x3FA5] =	sst s6  }
0xf: {  	[smem:$0x3FA6] =	sst s7  }
0x10: {  	[smem:$0x3FA7] =	sst s8  }
0x11: {  	[smem:$0x3FA8] =	sst s9;
	s0 =	simm.s32 @!p0 $0x0  }
0x12: {  	s1 =	sld [smem:$0x3F8E];
	s0 =	simm.s32 @p0 $0x1  }
0x13: {  	[smem:$0x3FA9] =	sst s0;
	s0 =	simm.s32 @!p1 $0x0  }
0x14: {  	s2 =	sld [smem:$0x3F8D];
	s0 =	simm.s32 @p1 $0x1  }
0x15: {  	[smem:$0x3FAA] =	sst s0;
	s0 =	simm.s32 @!p2 $0x0  }
0x16: {  	s3 =	sld [smem:$0x3FDB];
	s0 =	simm.s32 @p2 $0x1  }
0x17: {  	s4 =	simm.s32 $0x1BF5;
	[smem:$0x3FAC] =	sst s0  }
0x18: {  	s0 =	sld [smem:$0x3F8F];
	_ =	swait.ge [sflag:s4], $0x0  }
0x19: {  	s7 =	sld [smem:$0x3F90]  }
0x1a: {  	s8 =	sadd.s32 $0xFFFFE003, lr  }
0x1b: {  	s9 =	sadd.s32 $0xFFFFFEF7, lr;
	s5 =	simm.s32 $0xFFFFFFFF;
	p2 =	slt.u32 s8, $0xFFFFF086  }
0x1c: {  	p1 =	slt.u32 s9, $0xF7A;
	s5 =	simm.s32 @!p2 $0x0  }
0x1d: {  	s5 =	simm.s32 @p1 $0x1;
	p0 =	seq.s32 s7, s2  }
0x1e: {  	s7 =	smul.u32 @!p0 $0xF7A, s2;
	p2 =	seq.s32 @!p0 s5, $0x0  }
0x1f: {  	s9 =	smul.u32 $0xF7A, s1;
	s8 =	simm.s32 @!p0 $0x1BF5;
	p2 =	por !p2, p0  }
0x20: {  	[sflag:s8] =	ssyncset.s32 @!p0 $0xFFFFF086;
	s6 =	sadd.s32 @!p0 s3, s7;
	s7 =	simm.s32 @!p0 $0x108  }
0x21: {  	s3 =	sadd.s32 s3, s9;
	s6 =	sadd.s32 @!p0 $0x88, s6;
	s7 =	simm.s32 @p2 $0x1082  }
0x22: {  	[simem:s7], [sflag:s8] =	dma.local @!p0 [hbm:s6], $0xF7A  }
0x23: {  	s9 =	sor.u32 $0xD0000000, s2;
	s6 =	simm.s32 $0x108;
	_ =	swait.ge @!p0 [sflag:s8], $0x0  }
0x24: {  	s3 =	sadd.s32 $0x88, s3;
	s6 =	simm.s32 @!p1 $0x1082;
	[sflag:s4] =	ssyncset.s32 $0xFFFFF086  }
0x25: {  	[simem:s6], [sflag:s4] =	dma.local [hbm:s3], $0xF7A  }
0x26: {  	[smem:$0x3F90] =	sst s1;
	(tag) =	ssettag s2;
	_ =	strace s9  }
0x27: {  	s1 =	sld [smem:$0x3FA0]  }
0x28: {  	s2 =	sld [smem:$0x3FA1]  }
0x29: {  	s4 =	sld [smem:$0x3FA3]  }
0x2a: {  	p0 =	seq.s32 s5, $0x0;
	s5 =	sld [smem:$0x3FA4]  }
0x2b: {  	s6 =	sld [smem:$0x3FA5]  }
0x2c: {  	s7 =	sld [smem:$0x3FA6]  }
0x2d: {  	s3 =	simm.s32 $0x108;
	s8 =	sld [smem:$0x3FA7]  }
0x2e: {  	s3 =	simm.s32 @!p0 $0x1082;
	s9 =	sld [smem:$0x3FA8]  }
0x2f: {  	lr =	sadd.s32 s0, s3;
	s0 =	sld [smem:$0x3F9F]  }
0x30: {  	s3 =	sld [smem:$0x3FA2]  }
0x31: {  	[smem:$0x3FAB] =	sst s10  }
0x32: {  	s10 =	sld [smem:$0x3FA9];
	_ =	sdelay $0x3  }
0x33: {  	p0 =	seq.s32 s10, $0x1;
	s10 =	sld [smem:$0x3FAB];
	_ =	sdelay $0x3  }
0x34: {  	[smem:$0x3FAB] =	sst s10  }
0x35: {  	s10 =	sld [smem:$0x3FAA];
	_ =	sdelay $0x3  }
0x36: {  	p1 =	seq.s32 s10, $0x1;
	s10 =	sld [smem:$0x3FAB];
	_ =	sdelay $0x3  }
0x37: {  	[smem:$0x3FAB] =	sst s10  }
0x38: {  	s10 =	sld [smem:$0x3FAC]  }
0x39: {  	_ = 	snop;
	(pc) =	sbr.ind lr, $3  }
0x3a: {  	_ = 	snop  }
0x3b: {  	_ = 	snop  }
0x3c: {  	p2 =	seq.s32 s10, $0x1;
	s10 =	sld [smem:$0x3FAB]  }
0x3d: {  	_ =	shalt  }
0x3e: {  	_ =	shalt  }
0x3f: {  	_ =	shalt  }
0x40: {  	_ =	shalt  }
0x41: {  	_ =	shalt  }
0x42: {  	_ =	shalt  }
0x43: {  	_ =	shalt  }
0x44: {  	_ =	shalt  }
0x45: {  	_ =	shalt  }
0x46: {  	_ =	shalt  }
0x47: {  	_ =	shalt  }
0x48: {  	_ =	shalt  }
0x49: {  	_ =	shalt  }
0x4a: {  	_ =	shalt  }
0x4b: {  	_ =	shalt  }
0x4c: {  	_ =	shalt  }
0x4d: {  	_ =	shalt  }
0x4e: {  	_ =	shalt  }
0x4f: {  	_ =	shalt  }
0x50: {  	_ =	shalt  }
0x51: {  	_ =	shalt  }
0x52: {  	_ =	shalt  }
0x53: {  	_ =	shalt  }
0x54: {  	_ =	shalt  }
0x55: {  	_ =	shalt  }
0x56: {  	_ =	shalt  }
0x57: {  	_ =	shalt  }
0x58: {  	_ =	shalt  }
0x59: {  	_ =	shalt  }
0x5a: {  	_ =	shalt  }
0x5b: {  	_ =	shalt  }
0x5c: {  	_ =	shalt  }
0x5d: {  	_ =	shalt  }
0x5e: {  	_ =	shalt  }
0x5f: {  	_ =	shalt  }
0x60: {  	_ =	shalt  }
0x61: {  	_ =	shalt  }
0x62: {  	_ =	shalt  }
0x63: {  	_ =	shalt  }
0x64: {  	_ =	shalt  }
0x65: {  	_ =	shalt  }
0x66: {  	_ =	shalt  }
0x67: {  	_ =	shalt  }
0x68: {  	_ =	shalt  }
0x69: {  	_ =	shalt  }
0x6a: {  	_ =	shalt  }
0x6b: {  	_ =	shalt  }
0x6c: {  	_ =	shalt  }
0x6d: {  	_ =	shalt  }
0x6e: {  	_ =	shalt  }
0x6f: {  	_ =	shalt  }
0x70: {  	_ =	shalt  }
0x71: {  	_ =	shalt  }
0x72: {  	_ =	shalt  }
0x73: {  	_ =	shalt  }
0x74: {  	_ =	shalt  }
0x75: {  	_ =	shalt  }
0x76: {  	_ =	shalt  }
0x77: {  	_ =	shalt  }
0x78: {  	_ =	shalt  }
0x79: {  	_ =	shalt  }
0x7a: {  	_ =	shalt  }
0x7b: {  	_ =	shalt  }
0x7c: {  	_ =	shalt  }
0x7d: {  	_ =	shalt  }
0x7e: {  	_ =	shalt  }
0x7f: {  	_ =	shalt  }
0x80: {  	_ =	shalt  }
0x81: {  	_ =	shalt  }
0x82: {  	_ =	shalt  }
0x83: {  	_ =	shalt  }
0x84: {  	_ =	shalt  }
0x85: {  	_ =	shalt  }
0x86: {  	_ =	shalt  }
0x87: {  	_ =	shalt  }
.Lfunc_end0:
.L_simem_size_0:
called_computation_lowered:
.L_overlay_start_0:
0x88: {  	s1 =	sld [smem:$0x3FD9]  }
0x89: {  	s2 =	sld [smem:$0x3FFE];
	_ =	sdelay $0x1  }
0x8a: {  	s3 =	srdreg.scid  }
0x8b: {  	s0 =	sand.u32 $0x1, s3  }
0x8c: {  	s17 =	sshll.u32 s0, $0xA;
	s1 =	sadd.s32 s2, s1  }
0x8d: {  	s1 =	sadd.s32 s1, s17  }
0x8e: {  	[smem:$0x3FB7] =	sst s1  }
0x8f: {  	_ = 	snop  }
0x90: {  	(tm) =	ssettm $0x1  }
0x91: {  	s18 =	sld [smem:$0x3FFB];
	_ =	sdelay $0x3  }
0x92: {  	_ =	strace s18  }
0x93: {  	s1 =	sld [smem:$0x3FFC];
	_ =	sdelay $0x3  }
0x94: {  	_ =	strace s1  }
0x95: {  	s1 =	sld [smem:$0x3FFD];
	_ =	sdelay $0x3  }
0x96: {  	_ =	strace s1  }
0x97: {  	_ =	strace $0x8FFFFFFF  }
0x98: {  	s19 =	sld [smem:$0x3FDB];
	_ =	sdelay $0x1  }
0x99: {  	s20 =	simm.s32 $_scs_section_size  }
0x9a: {  	s4 =	simm.s32 $_size__tile_overlayer_lowered;
	s5 =	simm.s32 $_tile_overlayer_lowered  }
0x9b: {  	s23 =	simm.s32 $0x1BFF;
	s22 =	sshll.u32 s5, $0x1;
	s1 =	sadd.s32 s20, s19  }
0x9c: {  	s6 =	simm.s32 $0x0;
	s21 =	sshll.u32 s4, $0x1;
	s4 =	sadd.s32 s22, s1  }
0x9d: {  	[timem:s6], [sflag:s23] =	dma.local [hbm:s4], s21  }
0x9e: {  	_ =	swait.ge [sflag:s23], s21  }
0x9f: {  	s2 =	ssub.s32 $0x0, s21;
	[sflag:s23] =	ssyncset.done $0x0  }
0xa0: {  	[sflag:s23] =	ssyncadd.s32 s2;
	_ =	sdelay $0x1  }
0xa1: {  	s24 =	simm.s32 $0x1B8B  }
0xa2: {  	_ =	swait.ge [sflag:s24], $0x1  }
0xa3: {  	[sflag:s24] =	ssyncset.done $0x0  }
0xa4: {  	s25 =	simm.s32 $0x1B8E;
	[sflag:s24] =	ssyncadd.s32 $0xFFFFFFFF  }
0xa5: {  	s26 =	simm.s32 $execute0_lowered;
	[smem:$0x3FD2] =	sst s25  }
0xa6: {  	s2 =	sshll.u32 s26, $0x1;
	_ =	strace $0x80000046;
	[dreg:$0x1] =	wrdreg $0xFFFFFFFF  }
0xa7: {  	s28 =	simm.s32 $_size_execute0_lowered;
	s1 =	sadd.s32 s1, s2;
	[dreg:$0x0] =	wrdreg $0x0  }
0xa8: {  	s2 =	sshll.u32 s28, $0x1;
	[dreg:$0x2] =	wrdreg s1  }
0xa9: {  	[dreg:$0x3] =	wrdreg s2  }
0xaa: {  	[dreg:$0x4] =	wrdreg $0xC0  }
0xab: {  	_ =	task [dreg:s6], $0x5FFFF  }
0xac: {  	[dreg:$0x1] =	wrdreg $0xFFFFFFFF  }
0xad: {  	[dreg:$0x0] =	wrdreg $0x60  }
0xae: {  	[dreg:$0x2] =	wrdreg $0x9  }
0xaf: {  	_ =	task.clear_ibuf [dreg:s6], $0x3FFFF;
	_ =	strace $0x90000046  }
0xb0: {  	s29 =	simm.s32 $0x9;
	_ =	strace $0x80000048  }
0xb1: {  	_ =	swait.ge [sflag:s29], $0x1  }
0xb2: {  	[sflag:s29] =	ssyncadd.s32 $0xFFFFFFFF  }
0xb3: {  	_ =	strace $0x90000048  }
0xb4: {  	_ =	sfence  }
0xb5: {  	s30 =	sld [smem:$0x0];
	_ =	sdelay $0x2  }
0xb6: {  	s31 =	sshll.u32 s3, $0xD;
	s3 =	sshrl.u32 s3, $0x2  }
0xb7: {  	s2 =	sand.u32 $0x4000, s31;
	s1 =	sadd.s32 s3, s30  }
0xb8: {  	s0 =	sor.u32 s2, s0;
	s1 =	sshll.u32 s1, $0x11  }
0xb9: {  	s0 =	sor.u32 s1, s0  }
0xba: {  	s0 =	sadd.s32 $0x8F2B, s0  }
0xbb: {  	[sflag:s0] =	ssyncadd.remote.s32 $0x1  }
0xbc: {  	_ =	sfence.sel $0xFFFF  }
0xbd: {  	[dreg:$0x0] =	wrdreg $0xFFFFFFFF;
	(pc) =	sbr.abs _section_cstart, $3  }
0xbe: {  	[dreg:$0x1] =	wrdreg $0xFFFFFFFF  }
0xbf: {  	_ =	task.clear_ibuf [dreg:s6], $0x2FFFF;
	_ =	strace $0x9FFFFFFF  }
0xc0: {  	(tm) =	ssettm $0x7FFFFFFF  }
0xc1: {  	_ =	shalt  }
tec
execute0_lowered:
.L_overlay_start_1:
0x0: {  	(tag) =	ssettag $0x1  }
0x1: {  	s0 =	rddreg [dreg:$0x0];
	_ =	strace $0x80000047  }
0x2: {  	_ =	sfence.sel $0x180000  }
0x3: {  	s1 =	stileid.u32;
	[bflag:$0x0] =	sbarrier.arrive $0xFFFF  }
0x4: {  	p0 =	sne.s32 s1, $0x0;
	_ =	strace $0x90000047  }
0x5: {  	s0 =	sadd.s32 @!p0 $0x100000, s0;
	[bflag:$0x2] =	sbarrier.arrive $0xFFFF  }
0x6: {  	[sflag:s0] =	ssyncadd.tile.s32 @!p0 $0x1;
	_ =	shalt  }
.Lfunc_end2:
_tile_overlayer_lowered:
.L_overlay_start_2:
0x7: {  	(tag) =	ssettag $0x2  }
0x8: {  	s0 =	rddreg [dreg:$0x0];
	s2 =	stileid.u32  }
0x9: {  	s1 =	rddreg [dreg:$0x1];
	p0 =	sne.s32 s2, $0x0  }
0xa: {  	s3 =	rddreg [dreg:$0x2];
	[bflag:$0x3] =	sbarrier.arrive $0xFFFF;
	s2 =	simm.s32 @!p0 $0x1C01  }
0xb: {  	[timem:s3], [sflag:s2] =	dma.local @!p0 [hbm:s0], s1  }
0xc: {  	s0 =	simm.s32 @!p0 $0x1  }
0xd: {  	_ =	swait.ge @!p0 [sflag:s0], s1  }
0xe: {  	s1 =	ssub.s32 @!p0 $0x0, s1;
	[sflag:s0] =	ssyncset.done @!p0 $0x0  }
0xf: {  	[sflag:s0] =	ssyncadd.s32 @!p0 s1  }
0x10: {  	[bflag:$0x3] =	sbarrier.arrive $0xFFFF  }
0x11: {  	_ =	shalt  }

</sc_bundles>
